<compile_context>
chip_gen: v7x
topology: tpu7x:2x2x1
jax: 0.10.2.dev20260603
libtpu: 0.0.44.dev20260713+nightly
codegen_flags: <defaults>
</compile_context>

<pallas_src>
import jax
import jax.numpy as jnp
from jax import lax
from jax.experimental import pallas as pl
from jax.experimental.pallas import tpu as pltpu
from jax.experimental.pallas import tpu_sc as plsc


def _sc_body(idx_hbm, rig_hbm, cam_hbm, proj_hbm, pose_out, proj_out,
             idx_v, rig_v, cam_v, proj_v, pose_v, proj_s, sem):
    c2 = pltpu.async_copy(cam_hbm, cam_v, sem)
    c3 = pltpu.async_copy(proj_hbm, proj_v.at[pl.ds(0, 3), pl.ds(0, 3), :], sem)
    pltpu.sync_copy(idx_hbm, idx_v.at[pl.ds(0, 2)])
    idx_vec = idx_v[...]
    frame = idx_vec[0]
    cam = idx_vec[1]
    frame_base = pl.multiple_of((frame >> 7) << 7, 128)
    c1 = pltpu.async_copy(rig_hbm.at[:, :, pl.ds(frame_base, 128)], rig_v, sem)
    c1.wait()
    c2.wait()
    c3.wait()

    lane = lax.iota(jnp.int32, 16)
    row = lane >> 2
    col = lane & 3
    fl = jnp.full((16,), frame & 127, jnp.int32)
    cl = jnp.full((16,), cam, jnp.int32)
    acc = None
    for k in range(4):
        kvec = jnp.full((16,), k, jnp.int32)
        a_k = plsc.load_gather(cam_v, [row, kvec, cl])
        b_k = plsc.load_gather(rig_v, [kvec, col, fl])
        acc = a_k * b_k if acc is None else acc + a_k * b_k
    plsc.store_scatter(pose_v, [row, col], acc)
    c4 = pltpu.async_copy(pose_v, pose_out.at[0], sem)

    pmask = lane < 9
    r3 = jnp.minimum(lane // 3, 2)
    c3i = jnp.minimum(lane - 3 * r3, 2)
    pvals = plsc.load_gather(proj_v, [r3, c3i, cl], mask=pmask)
    plsc.store_scatter(proj_s, [r3, c3i], pvals, mask=pmask)
    c5 = pltpu.async_copy(proj_s, proj_out, sem)

    c4.wait()
    c5.wait()


@jax.jit
def _sc_call(image_idx, rig_t, cam_t, proj_t):
    mesh = plsc.VectorSubcoreMesh(core_axis_name="c", subcore_axis_name="s",
                                  num_cores=1, num_subcores=1)
    return pl.kernel(
        _sc_body,
        mesh=mesh,
        out_type=(
            jax.ShapeDtypeStruct((1, 4, 4), jnp.float32),
            jax.ShapeDtypeStruct((3, 3), jnp.float32),
        ),
        scratch_types=[
            pltpu.VMEM((16,), jnp.int32),
            pltpu.VMEM((4, 4, 128), jnp.float32),
            pltpu.VMEM((4, 4, 16), jnp.float32),
            pltpu.VMEM((4, 4, 16), jnp.float32),
            pltpu.VMEM((4, 4), jnp.float32),
            pltpu.VMEM((3, 3), jnp.float32),
            pltpu.SemaphoreType.DMA,
        ],
        compiler_params=pltpu.CompilerParams(needs_layout_passes=False),
    )(image_idx, rig_t, cam_t, proj_t)


def kernel(image_idx, rig_t_world, camera_t_rig, projection):
    return _sc_call(
        image_idx.astype(jnp.int32),
        jnp.transpose(rig_t_world, (1, 2, 0)),
        jnp.transpose(camera_t_rig, (1, 2, 0)),
        jnp.transpose(projection, (1, 2, 0)),
    )

# --- scband reference (transcript-rebuilt; emitter-appended) ---
"""Pipeline reference for scband-camera-rig-table-12627203850652 (READ-ONLY COPY).

The authoritative reference and input builder live on the scoring server;
editing this copy changes nothing except your own understanding.
"""

import jax, jax.numpy as jnp
import numpy as np

F = 100000  # num_frames
C = 16      # num_cameras in rig


def setup_inputs(seed: int = 0) -> dict:
    key = jax.random.key(seed)
    k1, k2, k3, k4, k5 = jax.random.split(key, 5)
    rig_t_world = jax.random.normal(k1, (F, 4, 4), dtype=jnp.float32)
    camera_t_rig = jax.random.normal(k2, (C, 4, 4), dtype=jnp.float32)
    projection = jax.random.normal(k3, (C, 3, 3), dtype=jnp.float32)
    frame_idx = jax.random.randint(k4, (1,), 0, F)
    cam_idx = jax.random.randint(k5, (1,), 0, C)
    image_idx = jnp.concatenate([frame_idx, cam_idx], axis=0)  # shape [2] = (frame, camera)
    return {
        "image_idx": image_idx,
        "rig_t_world": rig_t_world,
        "camera_t_rig": camera_t_rig,
        "projection": projection,
    }


def _rig_pose_table(rig_t_world, camera_t_rig, idx):
    # idx: int[..., 2]; last dim = (frame_idx, camera_idx)
    # camera_t_world = camera_t_rig[cam] @ rig_t_world[frame]
    frame = idx[..., 0]
    cam = idx[..., 1]
    return jnp.matmul(jnp.take(camera_t_rig, cam, axis=0),
                      jnp.take(rig_t_world, frame, axis=0))


def reference(image_idx, rig_t_world, camera_t_rig, projection):
    # CameraRigTable.forward:
    #   return (self.camera_poses(image_idx.unsqueeze(0)), self.camera_projection[image_idx[1]])
    idx = image_idx[None, :]  # [1, 2]
    pose = _rig_pose_table(rig_t_world, camera_t_rig, idx)  # [1, 4, 4]
    proj = jnp.take(projection, image_idx[1], axis=0)       # [3, 3]
    return (pose, proj)

if __name__ == "__main__":
    import jax
    _d = setup_inputs()
    print(jax.jit(kernel)(*tuple(_d.values())))

</pallas_src>

<mosaic_0001>
#map = affine_map<(d0, d1) -> (0)>
#map1 = affine_map<(d0, d1) -> (0, 0, 0)>
#map2 = affine_map<(d0, d1) -> (0, 0)>
module attributes {stable_mosaic.version = 14 : i64} {
  func.func @_sc_body(%arg0: i32, %arg1: i32, %arg2: memref<2xi32, #tpu.memory_space<hbm>>, %arg3: memref<4x4x100000xf32, #tpu.memory_space<hbm>>, %arg4: memref<4x4x16xf32, #tpu.memory_space<hbm>>, %arg5: memref<3x3x16xf32, #tpu.memory_space<hbm>>, %arg6: memref<1x4x4xf32, #tpu.memory_space<hbm>>, %arg7: memref<3x3xf32, #tpu.memory_space<hbm>>, %arg8: memref<16xi32, #tpu.memory_space<vmem>>, %arg9: memref<4x4x128xf32, #tpu.memory_space<vmem>>, %arg10: memref<4x4x16xf32, #tpu.memory_space<vmem>>, %arg11: memref<4x4x16xf32, #tpu.memory_space<vmem>>, %arg12: memref<4x4xf32, #tpu.memory_space<vmem>>, %arg13: memref<3x3xf32, #tpu.memory_space<vmem>>, %arg14: memref<!tpu.dma_semaphore, #tpu.memory_space<semaphore_mem>>) attributes {dimension_semantics = [#tpu.dimension_semantics<core_parallel>, #tpu.dimension_semantics<subcore_parallel>], iteration_bounds = array<i64: 1, 1>, scalar_prefetch = 0 : i64, scratch_operands = 7 : i64, tpu.core_type = #tpu.core_type<sc_vector_subcore>, window_params = [{transform_indices = #map}, {transform_indices = #map1}, {transform_indices = #map1}, {transform_indices = #map1}, {transform_indices = #map1}, {transform_indices = #map2}]} {
    tpu.enqueue_dma source(%arg4 : memref<4x4x16xf32, #tpu.memory_space<hbm>>) target(%arg10 : memref<4x4x16xf32, #tpu.memory_space<vmem>>) target_semaphore(%arg14 : memref<!tpu.dma_semaphore, #tpu.memory_space<semaphore_mem>>)
    %dma_start3A = arith.constant 0 : i32
    %dma_start3A_0 = arith.constant 0 : i32
    %dma_start3A_1 = arith.constant 0 : i32
    %dma_start3A_2 = tpu.memref_slice %arg11[%dma_start3A, %dma_start3A_0, %dma_start3A_1] : memref<4x4x16xf32, #tpu.memory_space<vmem>> -> memref<3x3x16xf32, #tpu.memory_space<vmem>>
    %dma_start3A_3 = arith.constant 0 : i32
    %dma_start3A_4 = arith.constant 0 : i32
    %dma_start3A_5 = arith.constant 0 : i32
    %dma_start3A_6 = tpu.memref_slice %arg11[%dma_start3A_3, %dma_start3A_4, %dma_start3A_5] : memref<4x4x16xf32, #tpu.memory_space<vmem>> -> memref<3x3x16xf32, #tpu.memory_space<vmem>>
    tpu.enqueue_dma source(%arg5 : memref<3x3x16xf32, #tpu.memory_space<hbm>>) target(%dma_start3A_6 : memref<3x3x16xf32, #tpu.memory_space<vmem>>) target_semaphore(%arg14 : memref<!tpu.dma_semaphore, #tpu.memory_space<semaphore_mem>>)
    "tpu.region"() ({
      %run_scoped3A = tpu.sem_alloc : memref<!tpu.dma_semaphore, #tpu.memory_space<semaphore_mem>>
      %dma_start3A_113 = arith.constant 0 : i32
      %dma_start3A_114 = tpu.memref_slice %arg8[%dma_start3A_113] : memref<16xi32, #tpu.memory_space<vmem>> -> memref<2xi32, #tpu.memory_space<vmem>>
      %dma_start3A_115 = arith.constant 0 : i32
      %dma_start3A_116 = tpu.memref_slice %arg8[%dma_start3A_115] : memref<16xi32, #tpu.memory_space<vmem>> -> memref<2xi32, #tpu.memory_space<vmem>>
      tpu.enqueue_dma source(%arg2 : memref<2xi32, #tpu.memory_space<hbm>>) target(%dma_start3A_116 : memref<2xi32, #tpu.memory_space<vmem>>) target_semaphore(%run_scoped3A : memref<!tpu.dma_semaphore, #tpu.memory_space<semaphore_mem>>)
      %dma_wait3A_117 = arith.constant 0 : i32
      %dma_wait3A_118 = tpu.memref_slice %arg8[%dma_wait3A_117] : memref<16xi32, #tpu.memory_space<vmem>> -> memref<2xi32, #tpu.memory_space<vmem>>
      %dma_wait3A_119 = arith.constant 0 : i32
      %dma_wait3A_120 = tpu.memref_slice %arg8[%dma_wait3A_119] : memref<16xi32, #tpu.memory_space<vmem>> -> memref<2xi32, #tpu.memory_space<vmem>>
      tpu.wait_dma2 semaphore(%run_scoped3A : memref<!tpu.dma_semaphore, #tpu.memory_space<semaphore_mem>>) src(%arg2 : memref<2xi32, #tpu.memory_space<hbm>>) dst(%dma_wait3A_120 : memref<2xi32, #tpu.memory_space<vmem>>)
      tpu.yield
    }) : () -> ()
    %get3A = arith.constant 0 : index
    %get3A_7 = tpu.vector_load %arg8[%get3A] {strides = array<i32>} : memref<16xi32, #tpu.memory_space<vmem>>, vector<16xi32>,
    %slice3A = vector.extract_strided_slice %get3A_7 {offsets = [0], sizes = [1], strides = [1]} : vector<16xi32> to vector<1xi32>
    %squeeze3A = vector.extract %slice3A[0] : i32 from vector<1xi32>
    %slice3A_8 = vector.extract_strided_slice %get3A_7 {offsets = [1], sizes = [1], strides = [1]} : vector<16xi32> to vector<1xi32>
    %squeeze3A_9 = vector.extract %slice3A_8[0] : i32 from vector<1xi32>
    %shift_right_arithmetic3A = arith.constant 7 : i32
    %shift_right_arithmetic3A_10 = arith.shrsi %squeeze3A, %shift_right_arithmetic3A : i32
    %shift_left3A = arith.constant 7 : i32
    %shift_left3A_11 = arith.shli %shift_right_arithmetic3A_10, %shift_left3A : i32
    %multiple_of3A = tpu.assume_multiple %shift_left3A_11, 128 : i32
    %dma_start3A_12 = arith.constant 0 : i32
    %dma_start3A_13 = arith.constant 0 : i32
    %dma_start3A_14 = tpu.memref_slice %arg3[%dma_start3A_12, %dma_start3A_13, %multiple_of3A] : memref<4x4x100000xf32, #tpu.memory_space<hbm>> -> memref<4x4x128xf32, #tpu.memory_space<hbm>>
    %dma_start3A_15 = arith.constant 0 : i32
    %dma_start3A_16 = arith.constant 0 : i32
    %dma_start3A_17 = tpu.memref_slice %arg3[%dma_start3A_15, %dma_start3A_16, %multiple_of3A] : memref<4x4x100000xf32, #tpu.memory_space<hbm>> -> memref<4x4x128xf32, #tpu.memory_space<hbm>>
    tpu.enqueue_dma source(%dma_start3A_17 : memref<4x4x128xf32, #tpu.memory_space<hbm>>) target(%arg9 : memref<4x4x128xf32, #tpu.memory_space<vmem>>) target_semaphore(%arg14 : memref<!tpu.dma_semaphore, #tpu.memory_space<semaphore_mem>>)
    %dma_wait3A = arith.constant 0 : i32
    %dma_wait3A_18 = arith.constant 0 : i32
    %dma_wait3A_19 = tpu.memref_slice %arg3[%dma_wait3A, %dma_wait3A_18, %multiple_of3A] : memref<4x4x100000xf32, #tpu.memory_space<hbm>> -> memref<4x4x128xf32, #tpu.memory_space<hbm>>
    %dma_wait3A_20 = arith.constant 0 : i32
    %dma_wait3A_21 = arith.constant 0 : i32
    %dma_wait3A_22 = tpu.memref_slice %arg3[%dma_wait3A_20, %dma_wait3A_21, %multiple_of3A] : memref<4x4x100000xf32, #tpu.memory_space<hbm>> -> memref<4x4x128xf32, #tpu.memory_space<hbm>>
    tpu.wait_dma2 semaphore(%arg14 : memref<!tpu.dma_semaphore, #tpu.memory_space<semaphore_mem>>) src(%dma_wait3A_22 : memref<4x4x128xf32, #tpu.memory_space<hbm>>) dst(%arg9 : memref<4x4x128xf32, #tpu.memory_space<vmem>>)
    tpu.wait_dma2 semaphore(%arg14 : memref<!tpu.dma_semaphore, #tpu.memory_space<semaphore_mem>>) src(%arg4 : memref<4x4x16xf32, #tpu.memory_space<hbm>>) dst(%arg10 : memref<4x4x16xf32, #tpu.memory_space<vmem>>)
    %dma_wait3A_23 = arith.constant 0 : i32
    %dma_wait3A_24 = arith.constant 0 : i32
    %dma_wait3A_25 = arith.constant 0 : i32
    %dma_wait3A_26 = tpu.memref_slice %arg11[%dma_wait3A_23, %dma_wait3A_24, %dma_wait3A_25] : memref<4x4x16xf32, #tpu.memory_space<vmem>> -> memref<3x3x16xf32, #tpu.memory_space<vmem>>
    %dma_wait3A_27 = arith.constant 0 : i32
    %dma_wait3A_28 = arith.constant 0 : i32
    %dma_wait3A_29 = arith.constant 0 : i32
    %dma_wait3A_30 = tpu.memref_slice %arg11[%dma_wait3A_27, %dma_wait3A_28, %dma_wait3A_29] : memref<4x4x16xf32, #tpu.memory_space<vmem>> -> memref<3x3x16xf32, #tpu.memory_space<vmem>>
    tpu.wait_dma2 semaphore(%arg14 : memref<!tpu.dma_semaphore, #tpu.memory_space<semaphore_mem>>) src(%arg5 : memref<3x3x16xf32, #tpu.memory_space<hbm>>) dst(%dma_wait3A_30 : memref<3x3x16xf32, #tpu.memory_space<vmem>>)
    %iota3A = tpu.iota {dimensions = array<i32: 0>} : vector<16xi32>
    %shift_right_arithmetic3A_31 = arith.constant 2 : i32
    %shift_right_arithmetic3A_32 = vector.broadcast %shift_right_arithmetic3A_31 : i32 to vector<16xi32>
    %shift_right_arithmetic3A_33 = arith.shrsi %iota3A, %shift_right_arithmetic3A_32 : vector<16xi32>
    %and3A = arith.constant 3 : i32
    %and3A_34 = vector.broadcast %and3A : i32 to vector<16xi32>
    %and3A_35 = arith.andi %iota3A, %and3A_34 : vector<16xi32>
    %and3A_36 = arith.constant 127 : i32
    %and3A_37 = arith.andi %squeeze3A, %and3A_36 : i32
    %broadcast_in_dim3A = vector.broadcast %and3A_37 : i32 to vector<16xi32>
    %broadcast_in_dim3A_38 = vector.broadcast %squeeze3A_9 : i32 to vector<16xi32>
    %broadcast_in_dim3A_39 = arith.constant 0 : i32
    %broadcast_in_dim3A_40 = vector.broadcast %broadcast_in_dim3A_39 : i32 to vector<16xi32>
    %gather3A = tpu.vector_load_idx %arg10[%shift_right_arithmetic3A_33, %broadcast_in_dim3A_40, %broadcast_in_dim3A_38] : memref<4x4x16xf32, #tpu.memory_space<vmem>>[vector<16xi32>, vector<16xi32>, vector<16xi32>], vector<16xf32>,
    %gather3A_41 = tpu.vector_load_idx %arg9[%broadcast_in_dim3A_40, %and3A_35, %broadcast_in_dim3A] : memref<4x4x128xf32, #tpu.memory_space<vmem>>[vector<16xi32>, vector<16xi32>, vector<16xi32>], vector<16xf32>,
    %mul3A = arith.mulf %gather3A, %gather3A_41 : vector<16xf32>
    %broadcast_in_dim3A_42 = arith.constant 1 : i32
    %broadcast_in_dim3A_43 = vector.broadcast %broadcast_in_dim3A_42 : i32 to vector<16xi32>
    %gather3A_44 = tpu.vector_load_idx %arg10[%shift_right_arithmetic3A_33, %broadcast_in_dim3A_43, %broadcast_in_dim3A_38] : memref<4x4x16xf32, #tpu.memory_space<vmem>>[vector<16xi32>, vector<16xi32>, vector<16xi32>], vector<16xf32>,
    %gather3A_45 = tpu.vector_load_idx %arg9[%broadcast_in_dim3A_43, %and3A_35, %broadcast_in_dim3A] : memref<4x4x128xf32, #tpu.memory_space<vmem>>[vector<16xi32>, vector<16xi32>, vector<16xi32>], vector<16xf32>,
    %mul3A_46 = arith.mulf %gather3A_44, %gather3A_45 : vector<16xf32>
    %add3A = arith.addf %mul3A, %mul3A_46 : vector<16xf32>
    %broadcast_in_dim3A_47 = arith.constant 2 : i32
    %broadcast_in_dim3A_48 = vector.broadcast %broadcast_in_dim3A_47 : i32 to vector<16xi32>
    %gather3A_49 = tpu.vector_load_idx %arg10[%shift_right_arithmetic3A_33, %broadcast_in_dim3A_48, %broadcast_in_dim3A_38] : memref<4x4x16xf32, #tpu.memory_space<vmem>>[vector<16xi32>, vector<16xi32>, vector<16xi32>], vector<16xf32>,
    %gather3A_50 = tpu.vector_load_idx %arg9[%broadcast_in_dim3A_48, %and3A_35, %broadcast_in_dim3A] : memref<4x4x128xf32, #tpu.memory_space<vmem>>[vector<16xi32>, vector<16xi32>, vector<16xi32>], vector<16xf32>,
    %mul3A_51 = arith.mulf %gather3A_49, %gather3A_50 : vector<16xf32>
    %add3A_52 = arith.addf %add3A, %mul3A_51 : vector<16xf32>
    %broadcast_in_dim3A_53 = arith.constant 3 : i32
    %broadcast_in_dim3A_54 = vector.broadcast %broadcast_in_dim3A_53 : i32 to vector<16xi32>
    %gather3A_55 = tpu.vector_load_idx %arg10[%shift_right_arithmetic3A_33, %broadcast_in_dim3A_54, %broadcast_in_dim3A_38] : memref<4x4x16xf32, #tpu.memory_space<vmem>>[vector<16xi32>, vector<16xi32>, vector<16xi32>], vector<16xf32>,
    %gather3A_56 = tpu.vector_load_idx %arg9[%broadcast_in_dim3A_54, %and3A_35, %broadcast_in_dim3A] : memref<4x4x128xf32, #tpu.memory_space<vmem>>[vector<16xi32>, vector<16xi32>, vector<16xi32>], vector<16xf32>,
    %mul3A_57 = arith.mulf %gather3A_55, %gather3A_56 : vector<16xf32>
    %add3A_58 = arith.addf %add3A_52, %mul3A_57 : vector<16xf32>
    tpu.vector_store_idx %arg12[%shift_right_arithmetic3A_33, %and3A_35], %add3A_58 : memref<4x4xf32, #tpu.memory_space<vmem>>[vector<16xi32>, vector<16xi32>], vector<16xf32>,
    %dma_start3A_59 = arith.constant 0 : i32
    %dma_start3A_60 = arith.constant 0 : i32
    %dma_start3A_61 = arith.constant 0 : i32
    %dma_start3A_62 = tpu.memref_slice %arg6[%dma_start3A_59, %dma_start3A_60, %dma_start3A_61] : memref<1x4x4xf32, #tpu.memory_space<hbm>> -> memref<1x4x4xf32, #tpu.memory_space<hbm>>
    %dma_start3A_63 = tpu.memref_squeeze %dma_start3A_62 : memref<1x4x4xf32, #tpu.memory_space<hbm>> -> memref<4x4xf32, #tpu.memory_space<hbm>>
    %dma_start3A_64 = arith.constant 0 : i32
    %dma_start3A_65 = arith.constant 0 : i32
    %dma_start3A_66 = tpu.memref_slice %arg6[%dma_start3A_59, %dma_start3A_64, %dma_start3A_65] : memref<1x4x4xf32, #tpu.memory_space<hbm>> -> memref<1x4x4xf32, #tpu.memory_space<hbm>>
    %dma_start3A_67 = tpu.memref_squeeze %dma_start3A_66 : memref<1x4x4xf32, #tpu.memory_space<hbm>> -> memref<4x4xf32, #tpu.memory_space<hbm>>
    tpu.enqueue_dma source(%arg12 : memref<4x4xf32, #tpu.memory_space<vmem>>) target(%dma_start3A_67 : memref<4x4xf32, #tpu.memory_space<hbm>>) target_semaphore(%arg14 : memref<!tpu.dma_semaphore, #tpu.memory_space<semaphore_mem>>)
    %lt3A = arith.constant 9 : i32
    %lt3A_68 = vector.broadcast %lt3A : i32 to vector<16xi32>
    %lt3A_69 = arith.cmpi slt, %iota3A, %lt3A_68 : vector<16xi32>
    %jit3A = arith.constant 3 : i32
    %div3A = vector.broadcast %jit3A : i32 to vector<16xi32>
    %div3A_70 = arith.divsi %iota3A, %div3A : vector<16xi32>
    %sign3A = arith.constant 0 : i32
    %sign3A_71 = vector.broadcast %sign3A : i32 to vector<16xi32>
    %sign3A_72 = arith.cmpi sgt, %iota3A, %sign3A_71 : vector<16xi32>
    %sign3A_73 = arith.extui %sign3A_72 : vector<16xi1> to vector<16xi32>
    %sign3A_74 = arith.constant 0 : i32
    %sign3A_75 = vector.broadcast %sign3A_74 : i32 to vector<16xi32>
    %sign3A_76 = arith.cmpi slt, %iota3A, %sign3A_75 : vector<16xi32>
    %sign3A_77 = arith.extui %sign3A_76 : vector<16xi1> to vector<16xi32>
    %sign3A_78 = arith.subi %sign3A_73, %sign3A_77 : vector<16xi32>
    %sign3A_79 = arith.constant 0 : i32
    %sign3A_80 = arith.cmpi sgt, %jit3A, %sign3A_79 : i32
    %sign3A_81 = arith.extui %sign3A_80 : i1 to i32
    %sign3A_82 = arith.constant 0 : i32
    %sign3A_83 = arith.cmpi slt, %jit3A, %sign3A_82 : i32
    %sign3A_84 = arith.extui %sign3A_83 : i1 to i32
    %sign3A_85 = arith.subi %sign3A_81, %sign3A_84 : i32
    %ne3A = vector.broadcast %sign3A_85 : i32 to vector<16xi32>
    %ne3A_86 = arith.cmpi ne, %sign3A_78, %ne3A : vector<16xi32>
    %rem3A = vector.broadcast %jit3A : i32 to vector<16xi32>
    %rem3A_87 = arith.remsi %iota3A, %rem3A : vector<16xi32>
    %ne3A_88 = arith.constant 0 : i32
    %ne3A_89 = vector.broadcast %ne3A_88 : i32 to vector<16xi32>
    %ne3A_90 = arith.cmpi ne, %rem3A_87, %ne3A_89 : vector<16xi32>
    %and3A_91 = arith.andi %ne3A_86, %ne3A_90 : vector<16xi1>
    %sub3A = arith.constant 1 : i32
    %sub3A_92 = vector.broadcast %sub3A : i32 to vector<16xi32>
    %sub3A_93 = arith.subi %div3A_70, %sub3A_92 : vector<16xi32>
    %select_n3A = arith.select %and3A_91, %sub3A_93, %div3A_70 : vector<16xi1>, vector<16xi32>
    %min3A = arith.constant 2 : i32
    %min3A_94 = vector.broadcast %min3A : i32 to vector<16xi32>
    %min3A_95 = arith.minsi %select_n3A, %min3A_94 : vector<16xi32>
    %mul3A_96 = arith.constant 3 : i32
    %mul3A_97 = vector.broadcast %mul3A_96 : i32 to vector<16xi32>
    %mul3A_98 = arith.muli %mul3A_97, %min3A_95 : vector<16xi32>
    %sub3A_99 = arith.subi %iota3A, %mul3A_98 : vector<16xi32>
    %min3A_100 = arith.constant 2 : i32
    %min3A_101 = vector.broadcast %min3A_100 : i32 to vector<16xi32>
    %min3A_102 = arith.minsi %sub3A_99, %min3A_101 : vector<16xi32>
    %gather3A_103 = tpu.vector_load_idx %arg11[%min3A_95, %min3A_102, %broadcast_in_dim3A_38] masked %lt3A_69 : memref<4x4x16xf32, #tpu.memory_space<vmem>>[vector<16xi32>, vector<16xi32>, vector<16xi32>], vector<16xf32>, vector<16xi1>
    tpu.vector_store_idx %arg13[%min3A_95, %min3A_102], %gather3A_103 masked %lt3A_69 : memref<3x3xf32, #tpu.memory_space<vmem>>[vector<16xi32>, vector<16xi32>], vector<16xf32>, vector<16xi1>
    tpu.enqueue_dma source(%arg13 : memref<3x3xf32, #tpu.memory_space<vmem>>) target(%arg7 : memref<3x3xf32, #tpu.memory_space<hbm>>) target_semaphore(%arg14 : memref<!tpu.dma_semaphore, #tpu.memory_space<semaphore_mem>>)
    %dma_wait3A_104 = arith.constant 0 : i32
    %dma_wait3A_105 = arith.constant 0 : i32
    %dma_wait3A_106 = arith.constant 0 : i32
    %dma_wait3A_107 = tpu.memref_slice %arg6[%dma_wait3A_104, %dma_wait3A_105, %dma_wait3A_106] : memref<1x4x4xf32, #tpu.memory_space<hbm>> -> memref<1x4x4xf32, #tpu.memory_space<hbm>>
    %dma_wait3A_108 = tpu.memref_squeeze %dma_wait3A_107 : memref<1x4x4xf32, #tpu.memory_space<hbm>> -> memref<4x4xf32, #tpu.memory_space<hbm>>
    %dma_wait3A_109 = arith.constant 0 : i32
    %dma_wait3A_110 = arith.constant 0 : i32
    %dma_wait3A_111 = tpu.memref_slice %arg6[%dma_wait3A_104, %dma_wait3A_109, %dma_wait3A_110] : memref<1x4x4xf32, #tpu.memory_space<hbm>> -> memref<1x4x4xf32, #tpu.memory_space<hbm>>
    %dma_wait3A_112 = tpu.memref_squeeze %dma_wait3A_111 : memref<1x4x4xf32, #tpu.memory_space<hbm>> -> memref<4x4xf32, #tpu.memory_space<hbm>>
    tpu.wait_dma2 semaphore(%arg14 : memref<!tpu.dma_semaphore, #tpu.memory_space<semaphore_mem>>) src(%arg12 : memref<4x4xf32, #tpu.memory_space<vmem>>) dst(%dma_wait3A_112 : memref<4x4xf32, #tpu.memory_space<hbm>>)
    tpu.wait_dma2 semaphore(%arg14 : memref<!tpu.dma_semaphore, #tpu.memory_space<semaphore_mem>>) src(%arg13 : memref<3x3xf32, #tpu.memory_space<vmem>>) dst(%arg7 : memref<3x3xf32, #tpu.memory_space<hbm>>)
    return
  }
}

</mosaic_0001>

<sc_bundles>
// kernel: _sc_call.3.cloned.1.call-start
scs
__scs_entry_jumppad:
0x0: {  	(pc) =	sbr.rel $0x88, $3  }
0x1: {  	(tag) =	ssettag $0x0;
	lr =	simm.s32 $0x1  }
0x2: {  	[smem:$0x3F9D] =	sst lr;
	_ =	strace $0xD0000000  }
0x3: {  	_ = 	snop  }
0x4: {  	_ = 	snop  }
0x5: {  	_ = 	snop  }
0x6: {  	_ = 	snop  }
0x7: {  	_ = 	snop  }
__scs_overlays_trampoline_lowered:
0x8: {  	[smem:$0x3FAC] =	sst s0  }
0x9: {  	[smem:$0x3FAD] =	sst s1  }
0xa: {  	[smem:$0x3FAE] =	sst s2  }
0xb: {  	[smem:$0x3FAF] =	sst s3  }
0xc: {  	[smem:$0x3FB0] =	sst s4  }
0xd: {  	[smem:$0x3FB1] =	sst s5  }
0xe: {  	[smem:$0x3FB2] =	sst s6  }
0xf: {  	[smem:$0x3FB3] =	sst s7  }
0x10: {  	[smem:$0x3FB4] =	sst s8  }
0x11: {  	[smem:$0x3FB5] =	sst s9;
	s0 =	simm.s32 @!p0 $0x0  }
0x12: {  	s1 =	sld [smem:$0x3F9B];
	s0 =	simm.s32 @p0 $0x1  }
0x13: {  	[smem:$0x3FB6] =	sst s0;
	s0 =	simm.s32 @!p1 $0x0  }
0x14: {  	s2 =	sld [smem:$0x3F9A];
	s0 =	simm.s32 @p1 $0x1  }
0x15: {  	[smem:$0x3FB7] =	sst s0;
	s0 =	simm.s32 @!p2 $0x0  }
0x16: {  	s3 =	sld [smem:$0x3FDB];
	s0 =	simm.s32 @p2 $0x1  }
0x17: {  	s4 =	simm.s32 $0x1BF5;
	[smem:$0x3FB9] =	sst s0  }
0x18: {  	s0 =	sld [smem:$0x3F9C];
	_ =	swait.ge [sflag:s4], $0x0  }
0x19: {  	s7 =	sld [smem:$0x3F9D]  }
0x1a: {  	s8 =	sadd.s32 $0xFFFFE003, lr  }
0x1b: {  	s9 =	sadd.s32 $0xFFFFFEF7, lr;
	s5 =	simm.s32 $0xFFFFFFFF;
	p2 =	slt.u32 s8, $0xFFFFF086  }
0x1c: {  	p1 =	slt.u32 s9, $0xF7A;
	s5 =	simm.s32 @!p2 $0x0  }
0x1d: {  	s5 =	simm.s32 @p1 $0x1;
	p0 =	seq.s32 s7, s2  }
0x1e: {  	s7 =	smul.u32 @!p0 $0xF7A, s2;
	p2 =	seq.s32 @!p0 s5, $0x0  }
0x1f: {  	s9 =	smul.u32 $0xF7A, s1;
	s8 =	simm.s32 @!p0 $0x1BF5;
	p2 =	por !p2, p0  }
0x20: {  	[sflag:s8] =	ssyncset.s32 @!p0 $0xFFFFF086;
	s6 =	sadd.s32 @!p0 s3, s7;
	s7 =	simm.s32 @!p0 $0x108  }
0x21: {  	s3 =	sadd.s32 s3, s9;
	s6 =	sadd.s32 @!p0 $0x88, s6;
	s7 =	simm.s32 @p2 $0x1082  }
0x22: {  	[simem:s7], [sflag:s8] =	dma.local @!p0 [hbm:s6], $0xF7A  }
0x23: {  	s9 =	sor.u32 $0xD0000000, s2;
	s6 =	simm.s32 $0x108;
	_ =	swait.ge @!p0 [sflag:s8], $0x0  }
0x24: {  	s3 =	sadd.s32 $0x88, s3;
	s6 =	simm.s32 @!p1 $0x1082;
	[sflag:s4] =	ssyncset.s32 $0xFFFFF086  }
0x25: {  	[simem:s6], [sflag:s4] =	dma.local [hbm:s3], $0xF7A  }
0x26: {  	[smem:$0x3F9D] =	sst s1;
	(tag) =	ssettag s2;
	_ =	strace s9  }
0x27: {  	s1 =	sld [smem:$0x3FAD]  }
0x28: {  	s2 =	sld [smem:$0x3FAE]  }
0x29: {  	s4 =	sld [smem:$0x3FB0]  }
0x2a: {  	p0 =	seq.s32 s5, $0x0;
	s5 =	sld [smem:$0x3FB1]  }
0x2b: {  	s6 =	sld [smem:$0x3FB2]  }
0x2c: {  	s7 =	sld [smem:$0x3FB3]  }
0x2d: {  	s3 =	simm.s32 $0x108;
	s8 =	sld [smem:$0x3FB4]  }
0x2e: {  	s3 =	simm.s32 @!p0 $0x1082;
	s9 =	sld [smem:$0x3FB5]  }
0x2f: {  	lr =	sadd.s32 s0, s3;
	s0 =	sld [smem:$0x3FAC]  }
0x30: {  	s3 =	sld [smem:$0x3FAF]  }
0x31: {  	[smem:$0x3FB8] =	sst s10  }
0x32: {  	s10 =	sld [smem:$0x3FB6];
	_ =	sdelay $0x3  }
0x33: {  	p0 =	seq.s32 s10, $0x1;
	s10 =	sld [smem:$0x3FB8];
	_ =	sdelay $0x3  }
0x34: {  	[smem:$0x3FB8] =	sst s10  }
0x35: {  	s10 =	sld [smem:$0x3FB7];
	_ =	sdelay $0x3  }
0x36: {  	p1 =	seq.s32 s10, $0x1;
	s10 =	sld [smem:$0x3FB8];
	_ =	sdelay $0x3  }
0x37: {  	[smem:$0x3FB8] =	sst s10  }
0x38: {  	s10 =	sld [smem:$0x3FB9]  }
0x39: {  	_ = 	snop;
	(pc) =	sbr.ind lr, $3  }
0x3a: {  	_ = 	snop  }
0x3b: {  	_ = 	snop  }
0x3c: {  	p2 =	seq.s32 s10, $0x1;
	s10 =	sld [smem:$0x3FB8]  }
0x3d: {  	_ =	shalt  }
0x3e: {  	_ =	shalt  }
0x3f: {  	_ =	shalt  }
0x40: {  	_ =	shalt  }
0x41: {  	_ =	shalt  }
0x42: {  	_ =	shalt  }
0x43: {  	_ =	shalt  }
0x44: {  	_ =	shalt  }
0x45: {  	_ =	shalt  }
0x46: {  	_ =	shalt  }
0x47: {  	_ =	shalt  }
0x48: {  	_ =	shalt  }
0x49: {  	_ =	shalt  }
0x4a: {  	_ =	shalt  }
0x4b: {  	_ =	shalt  }
0x4c: {  	_ =	shalt  }
0x4d: {  	_ =	shalt  }
0x4e: {  	_ =	shalt  }
0x4f: {  	_ =	shalt  }
0x50: {  	_ =	shalt  }
0x51: {  	_ =	shalt  }
0x52: {  	_ =	shalt  }
0x53: {  	_ =	shalt  }
0x54: {  	_ =	shalt  }
0x55: {  	_ =	shalt  }
0x56: {  	_ =	shalt  }
0x57: {  	_ =	shalt  }
0x58: {  	_ =	shalt  }
0x59: {  	_ =	shalt  }
0x5a: {  	_ =	shalt  }
0x5b: {  	_ =	shalt  }
0x5c: {  	_ =	shalt  }
0x5d: {  	_ =	shalt  }
0x5e: {  	_ =	shalt  }
0x5f: {  	_ =	shalt  }
0x60: {  	_ =	shalt  }
0x61: {  	_ =	shalt  }
0x62: {  	_ =	shalt  }
0x63: {  	_ =	shalt  }
0x64: {  	_ =	shalt  }
0x65: {  	_ =	shalt  }
0x66: {  	_ =	shalt  }
0x67: {  	_ =	shalt  }
0x68: {  	_ =	shalt  }
0x69: {  	_ =	shalt  }
0x6a: {  	_ =	shalt  }
0x6b: {  	_ =	shalt  }
0x6c: {  	_ =	shalt  }
0x6d: {  	_ =	shalt  }
0x6e: {  	_ =	shalt  }
0x6f: {  	_ =	shalt  }
0x70: {  	_ =	shalt  }
0x71: {  	_ =	shalt  }
0x72: {  	_ =	shalt  }
0x73: {  	_ =	shalt  }
0x74: {  	_ =	shalt  }
0x75: {  	_ =	shalt  }
0x76: {  	_ =	shalt  }
0x77: {  	_ =	shalt  }
0x78: {  	_ =	shalt  }
0x79: {  	_ =	shalt  }
0x7a: {  	_ =	shalt  }
0x7b: {  	_ =	shalt  }
0x7c: {  	_ =	shalt  }
0x7d: {  	_ =	shalt  }
0x7e: {  	_ =	shalt  }
0x7f: {  	_ =	shalt  }
0x80: {  	_ =	shalt  }
0x81: {  	_ =	shalt  }
0x82: {  	_ =	shalt  }
0x83: {  	_ =	shalt  }
0x84: {  	_ =	shalt  }
0x85: {  	_ =	shalt  }
0x86: {  	_ =	shalt  }
0x87: {  	_ =	shalt  }
.Lfunc_end0:
.L_simem_size_0:
called_computation_lowered:
.L_overlay_start_0:
0x88: {  	s0 =	sld [smem:$0x3FD9]  }
0x89: {  	s1 =	sld [smem:$0x3FFE];
	_ =	sdelay $0x3  }
0x8a: {  	s0 =	sadd.s32 s1, s0  }
0x8b: {  	[smem:$0x3FC4] =	sst s0  }
0x8c: {  	_ = 	snop  }
0x8d: {  	s0 =	sld [smem:$0x3FC9]  }
0x8e: {  	s14 =	sld [smem:$0x3FD0]  }
0x8f: {  	s2 =	sld [smem:$0x3FC8]  }
0x90: {  	s3 =	sld [smem:$0x3FC7]  }
0x91: {  	s5 =	simm.s32 $0xA;
	s6 =	simm.s32 $0x10;
	s4 =	sld [smem:$0x3FC6]  }
0x92: {  	[smem:s6], [sflag:s5] =	dma.local [hbm:s14], $0x1  }
0x93: {  	_ =	swait.eq [sflag:s5], $0x1  }
0x94: {  	[sflag:s5] =	ssyncset.done $0x0  }
0x95: {  	s15 =	sld [smem:$0x10];
	[sflag:s5] =	ssyncadd.s32 $0xFFFFFFFF  }
0x96: {  	s16 =	sld [smem:$0x11];
	(tm) =	ssettm $0x1  }
0x97: {  	s17 =	sld [smem:$0x3FFB];
	_ =	sdelay $0x3  }
0x98: {  	_ =	strace s17  }
0x99: {  	s6 =	sld [smem:$0x3FFC];
	_ =	sdelay $0x3  }
0x9a: {  	_ =	strace s6  }
0x9b: {  	s6 =	sld [smem:$0x3FFD];
	_ =	sdelay $0x3  }
0x9c: {  	_ =	strace s6  }
0x9d: {  	_ =	strace $0x8FFFFFFF  }
0x9e: {  	s18 =	sld [smem:$0x3FDB];
	_ =	sdelay $0x1  }
0x9f: {  	s7 =	simm.s32 $_scs_section_size  }
0xa0: {  	s8 =	simm.s32 $_size__tile_overlayer_lowered;
	s9 =	simm.s32 $_tile_overlayer_lowered  }
0xa1: {  	s21 =	simm.s32 $0x1BFF;
	s20 =	sshll.u32 s9, $0x1;
	s6 =	sadd.s32 s7, s18  }
0xa2: {  	s10 =	simm.s32 $0x0;
	s19 =	sshll.u32 s8, $0x1;
	s8 =	sadd.s32 s20, s6  }
0xa3: {  	[timem:s10], [sflag:s21] =	dma.local [hbm:s8], s19  }
0xa4: {  	_ =	swait.ge [sflag:s21], s19  }
0xa5: {  	s7 =	ssub.s32 $0x0, s19;
	[sflag:s21] =	ssyncset.done $0x0  }
0xa6: {  	[sflag:s21] =	ssyncadd.s32 s7;
	_ =	sdelay $0x1  }
0xa7: {  	s22 =	simm.s32 $0x1B8B  }
0xa8: {  	_ =	swait.ge [sflag:s22], $0x1  }
0xa9: {  	[sflag:s22] =	ssyncset.done $0x0  }
0xaa: {  	s23 =	simm.s32 $0x1B8E;
	[sflag:s22] =	ssyncadd.s32 $0xFFFFFFFF  }
0xab: {  	s24 =	simm.s32 $execute0_lowered;
	[smem:$0x3FD2] =	sst s23  }
0xac: {  	s7 =	sshll.u32 s24, $0x1;
	_ =	strace $0x80000046;
	[dreg:$0x1] =	wrdreg $0xFFFFFFFF  }
0xad: {  	s25 =	simm.s32 $_size_execute0_lowered;
	s6 =	sadd.s32 s6, s7;
	[dreg:$0x0] =	wrdreg $0x0  }
0xae: {  	s7 =	sshll.u32 s25, $0x1;
	[dreg:$0x2] =	wrdreg s6  }
0xaf: {  	[dreg:$0x3] =	wrdreg s7  }
0xb0: {  	[dreg:$0x4] =	wrdreg $0xC0  }
0xb1: {  	_ =	task [dreg:s10], $0x5FFFF  }
0xb2: {  	[dreg:$0x1] =	wrdreg $0xFFFFFFFF  }
0xb3: {  	[dreg:$0x0] =	wrdreg $0x60  }
0xb4: {  	[dreg:$0x2] =	wrdreg s0  }
0xb5: {  	[dreg:$0x3] =	wrdreg s2  }
0xb6: {  	[dreg:$0x4] =	wrdreg s3  }
0xb7: {  	[dreg:$0x5] =	wrdreg s4  }
0xb8: {  	[dreg:$0x6] =	wrdreg s15  }
0xb9: {  	[dreg:$0x7] =	wrdreg s16  }
0xba: {  	[dreg:$0x8] =	wrdreg $0x9  }
0xbb: {  	_ =	task.clear_ibuf [dreg:s10], $0x9FFFF;
	_ =	strace $0x90000046  }
0xbc: {  	s26 =	simm.s32 $0x9;
	_ =	strace $0x80000048  }
0xbd: {  	_ =	swait.ge [sflag:s26], $0x1  }
0xbe: {  	[sflag:s26] =	ssyncadd.s32 $0xFFFFFFFF  }
0xbf: {  	_ =	strace $0x90000048  }
0xc0: {  	_ =	sfence  }
0xc1: {  	s28 =	sld [smem:$0x0];
	_ =	sdelay $0x1  }
0xc2: {  	s29 =	srdreg.scid  }
0xc3: {  	s30 =	sshll.u32 s29, $0xD;
	s31 =	sshrl.u32 s29, $0x2  }
0xc4: {  	s1 =	sand.u32 $0x1, s29;
	s2 =	sand.u32 $0x4000, s30;
	s0 =	sadd.s32 s31, s28  }
0xc5: {  	s1 =	sor.u32 s2, s1;
	s0 =	sshll.u32 s0, $0x11  }
0xc6: {  	s0 =	sor.u32 s0, s1  }
0xc7: {  	s0 =	sadd.s32 $0x8F2B, s0  }
0xc8: {  	[sflag:s0] =	ssyncadd.remote.s32 $0x1  }
0xc9: {  	_ =	sfence.sel $0xFFFF  }
0xca: {  	[dreg:$0x0] =	wrdreg $0xFFFFFFFF;
	(pc) =	sbr.abs _section_cstart, $3  }
0xcb: {  	[dreg:$0x1] =	wrdreg $0xFFFFFFFF  }
0xcc: {  	_ =	task.clear_ibuf [dreg:s10], $0x2FFFF;
	_ =	strace $0x9FFFFFFF  }
0xcd: {  	(tm) =	ssettm $0x7FFFFFFF  }
tec
execute0_lowered:
.L_overlay_start_1:
0x0: {  	(tag) =	ssettag $0x1  }
0x1: {  	s7 =	rddreg [dreg:$0x0]  }
0x2: {  	s5 =	rddreg [dreg:$0x1];
	s6 =	stileid.u32  }
0x3: {  	s4 =	rddreg [dreg:$0x2];
	p0 =	sne.s32 s6, $0x0  }
.Ltmp0:
0x4: {  	s8 =	rddreg [dreg:$0x3];
	(pc) =	sbr.rel @p0 .LBB2_2-.Ltmp0, $4  }
0x5: {  	s3 =	rddreg [dreg:$0x4]  }
0x6: {  	s1 =	rddreg [dreg:$0x5];
	s2 =	simm.s32 $0x0  }
0x7: {  	[smem:$0x7FF] =	sst s2  }
0x8: {  	s0 =	rddreg [dreg:$0x6];
	_ =	strace $0x80000047  }
0x9: {  	s6 =	simm.s32 $0x880  }
0xa: {  	[tilespmem:s6], [sflag:$0x1] =	stream.linear.gather [hbm4b:s4+s2], $0x800, $0x38;
	[tilespmem:$0x1C80] =	vst v63  }
0xb: {  	s19 =	simm.s32 $0x1080  }
0xc: {  	[tilespmem:s19], [sflag:$0x1] =	stream.linear.gather [hbm4b:s8+s2], $0x180, $0x38;
	[tilespmem:$0x1C80] =	vst v63  }
0xd: {  	s9 =	sadd.s32 $0x40, s8;
	s10 =	simm.s32 $0x1280  }
0xe: {  	[tilespmem:s10], [sflag:$0x1] =	stream.linear.gather [hbm4b:s9+s2], $0x180, $0x38;
	[tilespmem:$0x1C80] =	vst v63  }
0xf: {  	s20 =	sadd.s32 $0x80, s8;
	s21 =	simm.s32 $0x1480  }
0x10: {  	[tilespmem:s21], [sflag:$0x1] =	stream.linear.gather [hbm4b:s20+s2], $0x180, $0x38;
	[tilespmem:$0x1C80] =	vst v63  }
0x11: {  	s22 =	simm.s32 $0x2  }
0x12: {  	[tilespmem:s2], [sflag:$0x2] =	stream.linear.gather [hbm4b:s7+s2], $0x2, $0x38;
	[tilespmem:$0x1C80] =	vst v63  }
0x13: {  	_ =	swait.ge [sflag:s22], $0x2  }
0x14: {  	[sflag:s22] =	ssyncset.done $0x0  }
0x15: {  	[sflag:s22] =	ssyncadd.s32 $0xFFFFFFFE  }
0x16: {  	v0 =	vld [tilespmem:$0x0];
	_ =	sdelay $0x4  }
0x17: {  	(v2sf) =	vpush v0, $0x0;
	_ =	sdelay $0xe  }
0x18: {  	s23 =	spop (v2sf)  }
0x19: {  	s24 =	sshrl.u32 s23, $0x1  }
0x1a: {  	s25 =	simm.s32 $0x200;
	s26 =	simm.s32 $0x61C00;
	s7 =	sand.u32 $0xFFFFFC0, s24  }
0x1b: {  	s28 =	simm.s32 $0x80;
	s29 =	simm.s32 $0x1;
	s5 =	sadd.s32 s5, s7  }
0x1c: {  	v1 =	vlaneseq.u32;
	[tilespmem:s28], [sflag:$0x1] =	stream.strided.gather [hbm4b:s5+s25], $0x800, s26, s25, $0x38;
	[tilespmem:$0x1C80] =	vst v63  }
0x1d: {  	v9 =	vimm.s32 $0x3210;
	v2 =	vshrl.u32 v1, $0x2;
	_ =	swait.ge [sflag:s29], $0x800  }
0x1e: {  	v10 =	vimm.s32 $0x83828180;
	v1 =	vand.u32 $0x3, v1;
	v2 =	vmul.u32 $0x200, v2;
	[sflag:s29] =	ssyncset.done $0x0  }
0x1f: {  	vm0 =	vcmask $0xF00;
	v1 =	vmul.u32 $0x80, v1;
	v0 =	vbroadcast v0, $0x1;
	[sflag:s29] =	ssyncadd.s32 $0xFFFFF800  }
0x20: {  	vm1 =	vcmask $0x1F10;
	vm4 =	vcmask $0x2320;
	v5 =	vor.u32 $0x80, v2;
	_ =	swait.ge [sflag:s29], $0x800  }
0x21: {  	vm5 =	vcmask $0x2724;
	v6 =	vor.u32 $0x200, v1;
	v5 =	vadd.s32 v5, v0;
	s8 =	sand.u32 $0x7F, s23;
	[sflag:s29] =	ssyncset.done $0x0  }
0x22: {  	vm6 =	vcmask $0x2B28;
	vm7 =	vcmask $0x2F2C;
	v6 =	vor.u32 s8, v6;
	[sflag:s29] =	ssyncadd.s32 $0xFFFFF800  }
0x23: {  	vm8 =	vcmask $0x3330;
	v59 =	vimm.s32 $0x500;
	v3 =	vadd.s32 v2, v0;
	_ =	swait.ge [sflag:s29], $0x480  }
0x24: {  	vm2 =	vcmask $0x300;
	v7 =	vor.u32 $0x100, v2;
	v4 =	vor.u32 s8, v1;
	[sflag:s29] =	ssyncset.done $0x0  }
0x25: {  	vm9 =	vcmask $0x704;
	v8 =	vor.u32 $0x400, v1;
	v7 =	vadd.s32 v7, v0;
	[sflag:s29] =	ssyncadd.s32 $0xFFFFFB80  }
0x26: {  	vm10 =	vcmask $0x3734;
	v9 =	vunpack.c.l.s4.s8 v9;
	v8 =	vor.u32 s8, v8;
	v5 =	vld.idx.msk [tilespmem:v5+s6+$0x0], $0xffff  }
0x27: {  	vm11 =	vcmask $0xB08;
	v10 =	vunpack.c.0.s8.s32 v10;
	v2 =	vor.u32 $0x180, v2;
	v6 =	vld.idx.msk [tilespmem:v6+s28+$0x0], $0xffff  }
0x28: {  	v9 =	vunpack.c.0.s8.s32 v9;
	v2 =	vadd.s32 v2, v0;
	v1 =	vor.u32 $0x600, v1;
	v3 =	vld.idx.msk [tilespmem:v3+s6+$0x0], $0xffff  }
0x29: {  	vm12 =	vcmask $0xF0C;
	vm13 =	vcmask $0x3B38;
	v1 =	vor.u32 s8, v1;
	v4 =	vld.idx.msk [tilespmem:v4+s28+$0x0], $0xffff  }
0x2a: {  	vm14 =	vcmask $0x1310;
	v56 =	vand.u32 $0xFF, v10;
	v55 =	vnsel vm0, $0x183, v9;
	v53 =	vld.idx.msk [tilespmem:v7+s6+$0x0], $0xffff  }
0x2b: {  	vm15 =	vcmask $0x1714;
	vm3 =	vcmask $0x1B18;
	v54 =	vld.idx.msk [tilespmem:v8+s28+$0x0], $0xffff;
	v7 =	vsel vm1, v56, v55  }
0x2c: {  	v7 =	vsel vm4, $0x100, v7;
	v52 =	vmul.f32 v6, v5;
	v6 =	vsel vm2, $0x0, v59  }
0x2d: {  	v60 =	vimm.s32 $0x80020100;
	v2 =	vld.idx.msk [tilespmem:v2+s6+$0x0], $0xffff;
	v7 =	vsel vm5, $0x101, v7;
	v6 =	vsel vm9, $0x80, v6  }
0x2e: {  	v1 =	vld.idx.msk [tilespmem:v1+s28+$0x0], $0xffff;
	vm4 =	vcmask $0x1F1C;
	v7 =	vsel vm6, $0x102, v7;
	v6 =	vsel vm11, $0x100, v6  }
0x2f: {  	v58 =	vsel vm7, $0x103, v7;
	v3 =	vmul.f32 v4, v3;
	v6 =	vsel vm12, $0x200, v6  }
0x30: {  	v57 =	vmul.f32 v54, v53;
	v5 =	vsel vm8, $0x180, v58;
	v6 =	vsel vm14, $0x280, v6  }
0x31: {  	v5 =	vsel vm10, $0x181, v5;
	v3 =	vadd.f32 v52, v3;
	v6 =	vsel vm15, $0x300, v6  }
0x32: {  	v7 =	vunpack.c.0.s8.s32 v60;
	v5 =	vsel vm13, $0x182, v5;
	v6 =	vsel vm3, $0x400, v6  }
0x33: {  	v1 =	vmul.f32 v1, v2;
	v3 =	vadd.f32 v57, v3;
	v61 =	vsel vm4, $0x480, v6  }
0x34: {  	v62 =	vand.u32 $0xFF, v7;
	v0 =	vadd.s32 v61, v0  }
0x35: {  	v2 =	vnsel vm0, $0x102, v62;
	v1 =	vadd.f32 v1, v3  }
0x36: {  	s30 =	simm.s32 $0x1880;
	v2 =	vsel vm14, $0x81, v2  }
0x37: {  	v63 =	vsel vm15, $0x82, v2;
	[tilespmem:v5+s30+$0x0] =	vst.idx.msk $0xffff, v1  }
0x38: {  	v1 =	vsel vm3, $0x100, v63;
	[hbm4b:s3+s2] =	stream.linear.scatter [tilespmem:s30], [sflag:$0x1], $0x200, $0x38;
	[tilespmem:$0x1C80] =	vst v63  }
0x39: {  	v1 =	vsel vm4, $0x101, v1;
	v0 =	vld.idx.msk [tilespmem:v0+s19+$0x0], $0x1ff;
	_ =	sdelay $0x3  }
0x3a: {  	s31 =	simm.s32 $0x1A80  }
0x3b: {  	[tilespmem:v1+s31+$0x0] =	vst.idx.msk $0x1ff, v0  }
0x3c: {  	[hbm4b:s1+s2] =	stream.linear.scatter [tilespmem:s31], [sflag:$0x1], $0x180, $0x38;
	[tilespmem:$0x1C80] =	vst v63  }
0x3d: {  	_ =	swait.ge [sflag:s29], $0x200  }
0x3e: {  	[sflag:s29] =	ssyncset.done $0x0  }
0x3f: {  	[sflag:s29] =	ssyncadd.s32 $0xFFFFFE00  }
0x40: {  	_ =	swait.ge [sflag:s29], $0x180  }
0x41: {  	[sflag:s29] =	ssyncset.done $0x0  }
0x42: {  	[sflag:s29] =	ssyncadd.s32 $0xFFFFFE80  }
.LBB2_2:
0x43: {  	_ =	sfence.sel $0x180000  }
0x44: {  	[bflag:$0x0] =	sbarrier.arrive $0xFFFF  }
0x45: {  	_ =	strace $0x90000047  }
0x46: {  	s0 =	sadd.s32 @!p0 $0x100000, s0;
	[bflag:$0x2] =	sbarrier.arrive $0xFFFF  }
0x47: {  	[sflag:s0] =	ssyncadd.tile.s32 @!p0 $0x1;
	_ =	shalt  }
.Lfunc_end2:
_tile_overlayer_lowered:
.L_overlay_start_2:
0x48: {  	(tag) =	ssettag $0x2  }
0x49: {  	s0 =	rddreg [dreg:$0x0];
	s2 =	stileid.u32  }
0x4a: {  	s1 =	rddreg [dreg:$0x1];
	p0 =	sne.s32 s2, $0x0  }
0x4b: {  	s3 =	rddreg [dreg:$0x2];
	[bflag:$0x3] =	sbarrier.arrive $0xFFFF;
	s2 =	simm.s32 @!p0 $0x1C02  }
0x4c: {  	[timem:s3], [sflag:s2] =	dma.local @!p0 [hbm:s0], s1  }
0x4d: {  	s0 =	simm.s32 @!p0 $0x2  }
0x4e: {  	_ =	swait.ge @!p0 [sflag:s0], s1  }
0x4f: {  	s1 =	ssub.s32 @!p0 $0x0, s1;
	[sflag:s0] =	ssyncset.done @!p0 $0x0  }
0x50: {  	[sflag:s0] =	ssyncadd.s32 @!p0 s1  }
0x51: {  	[bflag:$0x3] =	sbarrier.arrive $0xFFFF  }
0x52: {  	_ =	shalt  }

</sc_bundles>
